<compile_context>
chip_gen: v7x
topology: tpu7x:2x2x1
jax: 0.10.2.dev20260603
libtpu: 0.0.44.dev20260713+nightly
codegen_flags: <defaults>
</compile_context>

<pallas_src>
import functools

import jax
import jax.numpy as jnp
from jax import lax
from jax.experimental import pallas as pl
from jax.experimental.pallas import tpu as pltpu
from jax.experimental.pallas import tpu_sc as plsc

V = 100000
D = 128
B = 16384
CHUNK = 128


@functools.lru_cache(maxsize=None)
def _build_gather():
    info = plsc.get_sparse_core_info()
    nc, ns = info.num_cores, info.num_subcores
    nw = nc * ns
    rows_per_w = B // nw
    chunks = rows_per_w // CHUNK

    mesh = plsc.VectorSubcoreMesh(core_axis_name="c", subcore_axis_name="s")

    @functools.partial(
        pl.kernel,
        mesh=mesh,
        out_type=(
            jax.ShapeDtypeStruct((B, D), jnp.float32),
            jax.ShapeDtypeStruct((B, D), jnp.float32),
        ),
        scratch_types=[
            pltpu.VMEM((rows_per_w,), jnp.int32),
            pltpu.VMEM((rows_per_w,), jnp.int32),
        ] + [pltpu.VMEM((CHUNK, D), jnp.float32) for _ in range(4)]
          + [pltpu.SemaphoreType.DMA for _ in range(4)],
    )
    def gather(semb, temb, xi_hbm, yi_hbm, out_x, out_y,
               xi_v, yi_v, r0, r1, r2, r3, s0, s1, s2, s3):
        nbuf = 4
        bufs, sems = (r0, r1, r2, r3), (s0, s1, s2, s3)
        wid = lax.axis_index("s") * nc + lax.axis_index("c")
        base = wid * rows_per_w
        ix = pltpu.async_copy(xi_hbm.at[pl.ds(base, rows_per_w)], xi_v, s0)
        iy = pltpu.async_copy(yi_hbm.at[pl.ds(base, rows_per_w)], yi_v, s1)
        ix.wait()
        iy.wait()
        tasks = []
        for j in range(chunks):
            tasks.append((semb, xi_v, out_x, j))
            tasks.append((temb, yi_v, out_y, j))
        def start(i):
            tbl, iv, _, j = tasks[i]
            return pltpu.async_copy(
                tbl.at[iv.at[pl.ds(j * CHUNK, CHUNK)]],
                bufs[i % nbuf], sems[i % nbuf])
        copies = {i: start(i) for i in range(min(nbuf, len(tasks)))}
        for i, (tbl, iv, out, j) in enumerate(tasks):
            copies[i].wait()
            pltpu.sync_copy(bufs[i % nbuf],
                            out.at[pl.ds(base + j * CHUNK, CHUNK)])
            if i + nbuf < len(tasks):
                copies[i + nbuf] = start(i + nbuf)

    return gather


def _project(xg, yg, m):
    blk = 8192

    def body(m_ref, x_ref, y_ref, ox_ref, oy_ref):
        mm = m_ref[...]
        dn = (((1,), (1,)), ((), ()))
        ox_ref[...] = lax.dot_general(x_ref[...], mm, dn,
                                      preferred_element_type=jnp.float32)
        oy_ref[...] = lax.dot_general(y_ref[...], mm, dn,
                                      preferred_element_type=jnp.float32)

    return pl.pallas_call(
        body,
        grid=(B // blk,),
        in_specs=[
            pl.BlockSpec((D, D), lambda i: (0, 0)),
            pl.BlockSpec((blk, D), lambda i: (i, 0)),
            pl.BlockSpec((blk, D), lambda i: (i, 0)),
        ],
        out_specs=[
            pl.BlockSpec((blk, D), lambda i: (i, 0)),
            pl.BlockSpec((blk, D), lambda i: (i, 0)),
        ],
        out_shape=[jax.ShapeDtypeStruct((B, D), jnp.float32)] * 2,
    )(m, xg, yg)


def kernel(x_idx, y_idx, semb, temb, M):
    xi = x_idx.astype(jnp.int32)
    yi = y_idx.astype(jnp.int32)
    xg, yg = _build_gather()(semb, temb, xi, yi)
    return tuple(_project(xg, yg, M))

# --- scband reference (transcript-rebuilt; emitter-appended) ---
"""Pipeline reference for scband-aspect-muse-1829656068328 (READ-ONLY COPY).

The authoritative reference and input builder live on the scoring server;
editing this copy changes nothing except your own understanding.
"""

import jax, jax.numpy as jnp
import numpy as np

V = 100000
D = 128
B = 16384


def setup_inputs(seed: int = 0) -> dict:
    key = jax.random.key(seed)
    k1, k2, k3, k4, k5 = jax.random.split(key, 5)
    x_idx = jax.random.randint(k1, (B,), 0, V)
    y_idx = jax.random.randint(k2, (B,), 0, V)
    semb = jax.random.normal(k3, (V, D), dtype=jnp.float32) * 0.1
    temb = jax.random.normal(k4, (V, D), dtype=jnp.float32) * 0.1
    M = jax.random.normal(k5, (D, D), dtype=jnp.float32) * (1.0 / np.sqrt(D))
    return {"x_idx": x_idx, "y_idx": y_idx, "semb": semb, "temb": temb, "M": M}


def reference(x_idx, y_idx, semb, temb, M):
    # aspect_MUSE.project: embed src/trg word indices, then apply the shared
    # (bias-free) linear projection m to both sides.
    x_embedd = jnp.take(semb, x_idx, axis=0)
    y_embedd = jnp.take(temb, y_idx, axis=0)
    x_proj = x_embedd @ M.T  # nn.Linear(D, D, bias=False)
    y_proj = y_embedd @ M.T
    return (x_proj, y_proj)

if __name__ == "__main__":
    import jax
    _d = setup_inputs()
    print(jax.jit(kernel)(*tuple(_d.values())))

</pallas_src>

<mosaic_0001>
#map = affine_map<(d0, d1) -> (0, 0)>
#map1 = affine_map<(d0, d1) -> (0)>
module attributes {stable_mosaic.version = 14 : i64} {
  func.func @gather(%arg0: i32, %arg1: i32, %arg2: memref<100000x128xf32, #tpu.memory_space<hbm>>, %arg3: memref<100000x128xf32, #tpu.memory_space<hbm>>, %arg4: memref<16384xi32, #tpu.memory_space<hbm>>, %arg5: memref<16384xi32, #tpu.memory_space<hbm>>, %arg6: memref<16384x128xf32, #tpu.memory_space<hbm>>, %arg7: memref<16384x128xf32, #tpu.memory_space<hbm>>, %arg8: memref<512xi32, #tpu.memory_space<vmem>>, %arg9: memref<512xi32, #tpu.memory_space<vmem>>, %arg10: memref<128x128xf32, #tpu.memory_space<vmem>>, %arg11: memref<128x128xf32, #tpu.memory_space<vmem>>, %arg12: memref<128x128xf32, #tpu.memory_space<vmem>>, %arg13: memref<128x128xf32, #tpu.memory_space<vmem>>, %arg14: memref<!tpu.dma_semaphore, #tpu.memory_space<semaphore_mem>>, %arg15: memref<!tpu.dma_semaphore, #tpu.memory_space<semaphore_mem>>, %arg16: memref<!tpu.dma_semaphore, #tpu.memory_space<semaphore_mem>>, %arg17: memref<!tpu.dma_semaphore, #tpu.memory_space<semaphore_mem>>) attributes {dimension_semantics = [#tpu.dimension_semantics<core_parallel>, #tpu.dimension_semantics<subcore_parallel>], iteration_bounds = array<i64: 2, 16>, scalar_prefetch = 0 : i64, scratch_operands = 10 : i64, tpu.core_type = #tpu.core_type<sc_vector_subcore>, window_params = [{transform_indices = #map}, {transform_indices = #map}, {transform_indices = #map1}, {transform_indices = #map1}, {transform_indices = #map}, {transform_indices = #map}]} {
    %mul3A = arith.constant 2 : i32
    %mul3A_0 = arith.muli %arg1, %mul3A : i32
    %add3A = arith.addi %mul3A_0, %arg0 : i32
    %mul3A_1 = arith.constant 512 : i32
    %mul3A_2 = arith.muli %add3A, %mul3A_1 : i32
    %dma_start3A = tpu.memref_slice %arg4[%mul3A_2] : memref<16384xi32, #tpu.memory_space<hbm>> -> memref<512xi32, #tpu.memory_space<hbm>>
    %dma_start3A_3 = tpu.memref_slice %arg4[%mul3A_2] : memref<16384xi32, #tpu.memory_space<hbm>> -> memref<512xi32, #tpu.memory_space<hbm>>
    tpu.enqueue_dma source(%dma_start3A_3 : memref<512xi32, #tpu.memory_space<hbm>>) target(%arg8 : memref<512xi32, #tpu.memory_space<vmem>>) target_semaphore(%arg14 : memref<!tpu.dma_semaphore, #tpu.memory_space<semaphore_mem>>)
    %dma_start3A_4 = tpu.memref_slice %arg5[%mul3A_2] : memref<16384xi32, #tpu.memory_space<hbm>> -> memref<512xi32, #tpu.memory_space<hbm>>
    %dma_start3A_5 = tpu.memref_slice %arg5[%mul3A_2] : memref<16384xi32, #tpu.memory_space<hbm>> -> memref<512xi32, #tpu.memory_space<hbm>>
    tpu.enqueue_dma source(%dma_start3A_5 : memref<512xi32, #tpu.memory_space<hbm>>) target(%arg9 : memref<512xi32, #tpu.memory_space<vmem>>) target_semaphore(%arg15 : memref<!tpu.dma_semaphore, #tpu.memory_space<semaphore_mem>>)
    %dma_wait3A = tpu.memref_slice %arg4[%mul3A_2] : memref<16384xi32, #tpu.memory_space<hbm>> -> memref<512xi32, #tpu.memory_space<hbm>>
    %dma_wait3A_6 = tpu.memref_slice %arg4[%mul3A_2] : memref<16384xi32, #tpu.memory_space<hbm>> -> memref<512xi32, #tpu.memory_space<hbm>>
    tpu.wait_dma2 semaphore(%arg14 : memref<!tpu.dma_semaphore, #tpu.memory_space<semaphore_mem>>) src(%dma_wait3A_6 : memref<512xi32, #tpu.memory_space<hbm>>) dst(%arg8 : memref<512xi32, #tpu.memory_space<vmem>>)
    %dma_wait3A_7 = tpu.memref_slice %arg5[%mul3A_2] : memref<16384xi32, #tpu.memory_space<hbm>> -> memref<512xi32, #tpu.memory_space<hbm>>
    %dma_wait3A_8 = tpu.memref_slice %arg5[%mul3A_2] : memref<16384xi32, #tpu.memory_space<hbm>> -> memref<512xi32, #tpu.memory_space<hbm>>
    tpu.wait_dma2 semaphore(%arg15 : memref<!tpu.dma_semaphore, #tpu.memory_space<semaphore_mem>>) src(%dma_wait3A_8 : memref<512xi32, #tpu.memory_space<hbm>>) dst(%arg9 : memref<512xi32, #tpu.memory_space<vmem>>)
    %dma_start3A_9 = arith.constant 0 : i32
    %dma_start3A_10 = tpu.memref_slice %arg8[%dma_start3A_9] : memref<512xi32, #tpu.memory_space<vmem>> -> memref<128xi32, #tpu.memory_space<vmem>>
    %dma_start3A_11 = arith.constant 0 : i32
    %dma_start3A_12 = arith.constant 0 : i32
    %dma_start3A_13 = tpu.memref_slice %arg2[%dma_start3A_11, %dma_start3A_12] : memref<100000x128xf32, #tpu.memory_space<hbm>> -> memref<100000x128xf32, #tpu.memory_space<hbm>>
    tpu.enqueue_indirect_dma source(%dma_start3A_13 : memref<100000x128xf32, #tpu.memory_space<hbm>>) target(%arg10 : memref<128x128xf32, #tpu.memory_space<vmem>>) offsets(%dma_start3A_10 : memref<128xi32, #tpu.memory_space<vmem>>) semaphore(%arg14 : memref<!tpu.dma_semaphore, #tpu.memory_space<semaphore_mem>>)
    %dma_start3A_14 = arith.constant 0 : i32
    %dma_start3A_15 = tpu.memref_slice %arg9[%dma_start3A_14] : memref<512xi32, #tpu.memory_space<vmem>> -> memref<128xi32, #tpu.memory_space<vmem>>
    %dma_start3A_16 = arith.constant 0 : i32
    %dma_start3A_17 = arith.constant 0 : i32
    %dma_start3A_18 = tpu.memref_slice %arg3[%dma_start3A_16, %dma_start3A_17] : memref<100000x128xf32, #tpu.memory_space<hbm>> -> memref<100000x128xf32, #tpu.memory_space<hbm>>
    tpu.enqueue_indirect_dma source(%dma_start3A_18 : memref<100000x128xf32, #tpu.memory_space<hbm>>) target(%arg11 : memref<128x128xf32, #tpu.memory_space<vmem>>) offsets(%dma_start3A_15 : memref<128xi32, #tpu.memory_space<vmem>>) semaphore(%arg15 : memref<!tpu.dma_semaphore, #tpu.memory_space<semaphore_mem>>)
    %dma_start3A_19 = arith.constant 128 : i32
    %dma_start3A_20 = tpu.memref_slice %arg8[%dma_start3A_19] : memref<512xi32, #tpu.memory_space<vmem>> -> memref<128xi32, #tpu.memory_space<vmem>>
    %dma_start3A_21 = arith.constant 0 : i32
    %dma_start3A_22 = arith.constant 0 : i32
    %dma_start3A_23 = tpu.memref_slice %arg2[%dma_start3A_21, %dma_start3A_22] : memref<100000x128xf32, #tpu.memory_space<hbm>> -> memref<100000x128xf32, #tpu.memory_space<hbm>>
    tpu.enqueue_indirect_dma source(%dma_start3A_23 : memref<100000x128xf32, #tpu.memory_space<hbm>>) target(%arg12 : memref<128x128xf32, #tpu.memory_space<vmem>>) offsets(%dma_start3A_20 : memref<128xi32, #tpu.memory_space<vmem>>) semaphore(%arg16 : memref<!tpu.dma_semaphore, #tpu.memory_space<semaphore_mem>>)
    %dma_start3A_24 = arith.constant 128 : i32
    %dma_start3A_25 = tpu.memref_slice %arg9[%dma_start3A_24] : memref<512xi32, #tpu.memory_space<vmem>> -> memref<128xi32, #tpu.memory_space<vmem>>
    %dma_start3A_26 = arith.constant 0 : i32
    %dma_start3A_27 = arith.constant 0 : i32
    %dma_start3A_28 = tpu.memref_slice %arg3[%dma_start3A_26, %dma_start3A_27] : memref<100000x128xf32, #tpu.memory_space<hbm>> -> memref<100000x128xf32, #tpu.memory_space<hbm>>
    tpu.enqueue_indirect_dma source(%dma_start3A_28 : memref<100000x128xf32, #tpu.memory_space<hbm>>) target(%arg13 : memref<128x128xf32, #tpu.memory_space<vmem>>) offsets(%dma_start3A_25 : memref<128xi32, #tpu.memory_space<vmem>>) semaphore(%arg17 : memref<!tpu.dma_semaphore, #tpu.memory_space<semaphore_mem>>)
    %dma_wait3A_29 = arith.constant 0 : i32
    %dma_wait3A_30 = tpu.memref_slice %arg8[%dma_wait3A_29] : memref<512xi32, #tpu.memory_space<vmem>> -> memref<128xi32, #tpu.memory_space<vmem>>
    %dma_wait3A_31 = arith.constant 0 : i32
    %dma_wait3A_32 = arith.constant 0 : i32
    %dma_wait3A_33 = tpu.memref_slice %arg2[%dma_wait3A_31, %dma_wait3A_32] : memref<100000x128xf32, #tpu.memory_space<hbm>> -> memref<100000x128xf32, #tpu.memory_space<hbm>>
    tpu.wait_indirect_dma semaphore(%arg14 : memref<!tpu.dma_semaphore, #tpu.memory_space<semaphore_mem>>) src(%dma_wait3A_33 : memref<100000x128xf32, #tpu.memory_space<hbm>>) dst(%arg10 : memref<128x128xf32, #tpu.memory_space<vmem>>)
    %add3A_34 = arith.constant 0 : i32
    %add3A_35 = arith.addi %mul3A_2, %add3A_34 : i32
    "tpu.region"() ({
      %run_scoped3A = tpu.sem_alloc : memref<!tpu.dma_semaphore, #tpu.memory_space<semaphore_mem>>
      %dma_start3A_105 = arith.constant 0 : i32
      %dma_start3A_106 = tpu.memref_slice %arg6[%add3A_35, %dma_start3A_105] : memref<16384x128xf32, #tpu.memory_space<hbm>> -> memref<128x128xf32, #tpu.memory_space<hbm>>
      %dma_start3A_107 = arith.constant 0 : i32
      %dma_start3A_108 = tpu.memref_slice %arg6[%add3A_35, %dma_start3A_107] : memref<16384x128xf32, #tpu.memory_space<hbm>> -> memref<128x128xf32, #tpu.memory_space<hbm>>
      tpu.enqueue_dma source(%arg10 : memref<128x128xf32, #tpu.memory_space<vmem>>) target(%dma_start3A_108 : memref<128x128xf32, #tpu.memory_space<hbm>>) target_semaphore(%run_scoped3A : memref<!tpu.dma_semaphore, #tpu.memory_space<semaphore_mem>>)
      %dma_wait3A_109 = arith.constant 0 : i32
      %dma_wait3A_110 = tpu.memref_slice %arg6[%add3A_35, %dma_wait3A_109] : memref<16384x128xf32, #tpu.memory_space<hbm>> -> memref<128x128xf32, #tpu.memory_space<hbm>>
      %dma_wait3A_111 = arith.constant 0 : i32
      %dma_wait3A_112 = tpu.memref_slice %arg6[%add3A_35, %dma_wait3A_111] : memref<16384x128xf32, #tpu.memory_space<hbm>> -> memref<128x128xf32, #tpu.memory_space<hbm>>
      tpu.wait_dma2 semaphore(%run_scoped3A : memref<!tpu.dma_semaphore, #tpu.memory_space<semaphore_mem>>) src(%arg10 : memref<128x128xf32, #tpu.memory_space<vmem>>) dst(%dma_wait3A_112 : memref<128x128xf32, #tpu.memory_space<hbm>>)
      tpu.yield
    }) : () -> ()
    %dma_start3A_36 = arith.constant 256 : i32
    %dma_start3A_37 = tpu.memref_slice %arg8[%dma_start3A_36] : memref<512xi32, #tpu.memory_space<vmem>> -> memref<128xi32, #tpu.memory_space<vmem>>
    %dma_start3A_38 = arith.constant 0 : i32
    %dma_start3A_39 = arith.constant 0 : i32
    %dma_start3A_40 = tpu.memref_slice %arg2[%dma_start3A_38, %dma_start3A_39] : memref<100000x128xf32, #tpu.memory_space<hbm>> -> memref<100000x128xf32, #tpu.memory_space<hbm>>
    tpu.enqueue_indirect_dma source(%dma_start3A_40 : memref<100000x128xf32, #tpu.memory_space<hbm>>) target(%arg10 : memref<128x128xf32, #tpu.memory_space<vmem>>) offsets(%dma_start3A_37 : memref<128xi32, #tpu.memory_space<vmem>>) semaphore(%arg14 : memref<!tpu.dma_semaphore, #tpu.memory_space<semaphore_mem>>)
    %dma_wait3A_41 = arith.constant 0 : i32
    %dma_wait3A_42 = tpu.memref_slice %arg9[%dma_wait3A_41] : memref<512xi32, #tpu.memory_space<vmem>> -> memref<128xi32, #tpu.memory_space<vmem>>
    %dma_wait3A_43 = arith.constant 0 : i32
    %dma_wait3A_44 = arith.constant 0 : i32
    %dma_wait3A_45 = tpu.memref_slice %arg3[%dma_wait3A_43, %dma_wait3A_44] : memref<100000x128xf32, #tpu.memory_space<hbm>> -> memref<100000x128xf32, #tpu.memory_space<hbm>>
    tpu.wait_indirect_dma semaphore(%arg15 : memref<!tpu.dma_semaphore, #tpu.memory_space<semaphore_mem>>) src(%dma_wait3A_45 : memref<100000x128xf32, #tpu.memory_space<hbm>>) dst(%arg11 : memref<128x128xf32, #tpu.memory_space<vmem>>)
    %add3A_46 = arith.constant 0 : i32
    %add3A_47 = arith.addi %mul3A_2, %add3A_46 : i32
    "tpu.region"() ({
      %run_scoped3A = tpu.sem_alloc : memref<!tpu.dma_semaphore, #tpu.memory_space<semaphore_mem>>
      %dma_start3A_105 = arith.constant 0 : i32
      %dma_start3A_106 = tpu.memref_slice %arg7[%add3A_47, %dma_start3A_105] : memref<16384x128xf32, #tpu.memory_space<hbm>> -> memref<128x128xf32, #tpu.memory_space<hbm>>
      %dma_start3A_107 = arith.constant 0 : i32
      %dma_start3A_108 = tpu.memref_slice %arg7[%add3A_47, %dma_start3A_107] : memref<16384x128xf32, #tpu.memory_space<hbm>> -> memref<128x128xf32, #tpu.memory_space<hbm>>
      tpu.enqueue_dma source(%arg11 : memref<128x128xf32, #tpu.memory_space<vmem>>) target(%dma_start3A_108 : memref<128x128xf32, #tpu.memory_space<hbm>>) target_semaphore(%run_scoped3A : memref<!tpu.dma_semaphore, #tpu.memory_space<semaphore_mem>>)
      %dma_wait3A_109 = arith.constant 0 : i32
      %dma_wait3A_110 = tpu.memref_slice %arg7[%add3A_47, %dma_wait3A_109] : memref<16384x128xf32, #tpu.memory_space<hbm>> -> memref<128x128xf32, #tpu.memory_space<hbm>>
      %dma_wait3A_111 = arith.constant 0 : i32
      %dma_wait3A_112 = tpu.memref_slice %arg7[%add3A_47, %dma_wait3A_111] : memref<16384x128xf32, #tpu.memory_space<hbm>> -> memref<128x128xf32, #tpu.memory_space<hbm>>
      tpu.wait_dma2 semaphore(%run_scoped3A : memref<!tpu.dma_semaphore, #tpu.memory_space<semaphore_mem>>) src(%arg11 : memref<128x128xf32, #tpu.memory_space<vmem>>) dst(%dma_wait3A_112 : memref<128x128xf32, #tpu.memory_space<hbm>>)
      tpu.yield
    }) : () -> ()
    %dma_start3A_48 = arith.constant 256 : i32
    %dma_start3A_49 = tpu.memref_slice %arg9[%dma_start3A_48] : memref<512xi32, #tpu.memory_space<vmem>> -> memref<128xi32, #tpu.memory_space<vmem>>
    %dma_start3A_50 = arith.constant 0 : i32
    %dma_start3A_51 = arith.constant 0 : i32
    %dma_start3A_52 = tpu.memref_slice %arg3[%dma_start3A_50, %dma_start3A_51] : memref<100000x128xf32, #tpu.memory_space<hbm>> -> memref<100000x128xf32, #tpu.memory_space<hbm>>
    tpu.enqueue_indirect_dma source(%dma_start3A_52 : memref<100000x128xf32, #tpu.memory_space<hbm>>) target(%arg11 : memref<128x128xf32, #tpu.memory_space<vmem>>) offsets(%dma_start3A_49 : memref<128xi32, #tpu.memory_space<vmem>>) semaphore(%arg15 : memref<!tpu.dma_semaphore, #tpu.memory_space<semaphore_mem>>)
    %dma_wait3A_53 = arith.constant 128 : i32
    %dma_wait3A_54 = tpu.memref_slice %arg8[%dma_wait3A_53] : memref<512xi32, #tpu.memory_space<vmem>> -> memref<128xi32, #tpu.memory_space<vmem>>
    %dma_wait3A_55 = arith.constant 0 : i32
    %dma_wait3A_56 = arith.constant 0 : i32
    %dma_wait3A_57 = tpu.memref_slice %arg2[%dma_wait3A_55, %dma_wait3A_56] : memref<100000x128xf32, #tpu.memory_space<hbm>> -> memref<100000x128xf32, #tpu.memory_space<hbm>>
    tpu.wait_indirect_dma semaphore(%arg16 : memref<!tpu.dma_semaphore, #tpu.memory_space<semaphore_mem>>) src(%dma_wait3A_57 : memref<100000x128xf32, #tpu.memory_space<hbm>>) dst(%arg12 : memref<128x128xf32, #tpu.memory_space<vmem>>)
    %add3A_58 = arith.constant 128 : i32
    %add3A_59 = arith.addi %mul3A_2, %add3A_58 : i32
    "tpu.region"() ({
      %run_scoped3A = tpu.sem_alloc : memref<!tpu.dma_semaphore, #tpu.memory_space<semaphore_mem>>
      %dma_start3A_105 = arith.constant 0 : i32
      %dma_start3A_106 = tpu.memref_slice %arg6[%add3A_59, %dma_start3A_105] : memref<16384x128xf32, #tpu.memory_space<hbm>> -> memref<128x128xf32, #tpu.memory_space<hbm>>
      %dma_start3A_107 = arith.constant 0 : i32
      %dma_start3A_108 = tpu.memref_slice %arg6[%add3A_59, %dma_start3A_107] : memref<16384x128xf32, #tpu.memory_space<hbm>> -> memref<128x128xf32, #tpu.memory_space<hbm>>
      tpu.enqueue_dma source(%arg12 : memref<128x128xf32, #tpu.memory_space<vmem>>) target(%dma_start3A_108 : memref<128x128xf32, #tpu.memory_space<hbm>>) target_semaphore(%run_scoped3A : memref<!tpu.dma_semaphore, #tpu.memory_space<semaphore_mem>>)
      %dma_wait3A_109 = arith.constant 0 : i32
      %dma_wait3A_110 = tpu.memref_slice %arg6[%add3A_59, %dma_wait3A_109] : memref<16384x128xf32, #tpu.memory_space<hbm>> -> memref<128x128xf32, #tpu.memory_space<hbm>>
      %dma_wait3A_111 = arith.constant 0 : i32
      %dma_wait3A_112 = tpu.memref_slice %arg6[%add3A_59, %dma_wait3A_111] : memref<16384x128xf32, #tpu.memory_space<hbm>> -> memref<128x128xf32, #tpu.memory_space<hbm>>
      tpu.wait_dma2 semaphore(%run_scoped3A : memref<!tpu.dma_semaphore, #tpu.memory_space<semaphore_mem>>) src(%arg12 : memref<128x128xf32, #tpu.memory_space<vmem>>) dst(%dma_wait3A_112 : memref<128x128xf32, #tpu.memory_space<hbm>>)
      tpu.yield
    }) : () -> ()
    %dma_start3A_60 = arith.constant 384 : i32
    %dma_start3A_61 = tpu.memref_slice %arg8[%dma_start3A_60] : memref<512xi32, #tpu.memory_space<vmem>> -> memref<128xi32, #tpu.memory_space<vmem>>
    %dma_start3A_62 = arith.constant 0 : i32
    %dma_start3A_63 = arith.constant 0 : i32
    %dma_start3A_64 = tpu.memref_slice %arg2[%dma_start3A_62, %dma_start3A_63] : memref<100000x128xf32, #tpu.memory_space<hbm>> -> memref<100000x128xf32, #tpu.memory_space<hbm>>
    tpu.enqueue_indirect_dma source(%dma_start3A_64 : memref<100000x128xf32, #tpu.memory_space<hbm>>) target(%arg12 : memref<128x128xf32, #tpu.memory_space<vmem>>) offsets(%dma_start3A_61 : memref<128xi32, #tpu.memory_space<vmem>>) semaphore(%arg16 : memref<!tpu.dma_semaphore, #tpu.memory_space<semaphore_mem>>)
    %dma_wait3A_65 = arith.constant 128 : i32
    %dma_wait3A_66 = tpu.memref_slice %arg9[%dma_wait3A_65] : memref<512xi32, #tpu.memory_space<vmem>> -> memref<128xi32, #tpu.memory_space<vmem>>
    %dma_wait3A_67 = arith.constant 0 : i32
    %dma_wait3A_68 = arith.constant 0 : i32
    %dma_wait3A_69 = tpu.memref_slice %arg3[%dma_wait3A_67, %dma_wait3A_68] : memref<100000x128xf32, #tpu.memory_space<hbm>> -> memref<100000x128xf32, #tpu.memory_space<hbm>>
    tpu.wait_indirect_dma semaphore(%arg17 : memref<!tpu.dma_semaphore, #tpu.memory_space<semaphore_mem>>) src(%dma_wait3A_69 : memref<100000x128xf32, #tpu.memory_space<hbm>>) dst(%arg13 : memref<128x128xf32, #tpu.memory_space<vmem>>)
    %add3A_70 = arith.constant 128 : i32
    %add3A_71 = arith.addi %mul3A_2, %add3A_70 : i32
    "tpu.region"() ({
      %run_scoped3A = tpu.sem_alloc : memref<!tpu.dma_semaphore, #tpu.memory_space<semaphore_mem>>
      %dma_start3A_105 = arith.constant 0 : i32
      %dma_start3A_106 = tpu.memref_slice %arg7[%add3A_71, %dma_start3A_105] : memref<16384x128xf32, #tpu.memory_space<hbm>> -> memref<128x128xf32, #tpu.memory_space<hbm>>
      %dma_start3A_107 = arith.constant 0 : i32
      %dma_start3A_108 = tpu.memref_slice %arg7[%add3A_71, %dma_start3A_107] : memref<16384x128xf32, #tpu.memory_space<hbm>> -> memref<128x128xf32, #tpu.memory_space<hbm>>
      tpu.enqueue_dma source(%arg13 : memref<128x128xf32, #tpu.memory_space<vmem>>) target(%dma_start3A_108 : memref<128x128xf32, #tpu.memory_space<hbm>>) target_semaphore(%run_scoped3A : memref<!tpu.dma_semaphore, #tpu.memory_space<semaphore_mem>>)
      %dma_wait3A_109 = arith.constant 0 : i32
      %dma_wait3A_110 = tpu.memref_slice %arg7[%add3A_71, %dma_wait3A_109] : memref<16384x128xf32, #tpu.memory_space<hbm>> -> memref<128x128xf32, #tpu.memory_space<hbm>>
      %dma_wait3A_111 = arith.constant 0 : i32
      %dma_wait3A_112 = tpu.memref_slice %arg7[%add3A_71, %dma_wait3A_111] : memref<16384x128xf32, #tpu.memory_space<hbm>> -> memref<128x128xf32, #tpu.memory_space<hbm>>
      tpu.wait_dma2 semaphore(%run_scoped3A : memref<!tpu.dma_semaphore, #tpu.memory_space<semaphore_mem>>) src(%arg13 : memref<128x128xf32, #tpu.memory_space<vmem>>) dst(%dma_wait3A_112 : memref<128x128xf32, #tpu.memory_space<hbm>>)
      tpu.yield
    }) : () -> ()
    %dma_start3A_72 = arith.constant 384 : i32
    %dma_start3A_73 = tpu.memref_slice %arg9[%dma_start3A_72] : memref<512xi32, #tpu.memory_space<vmem>> -> memref<128xi32, #tpu.memory_space<vmem>>
    %dma_start3A_74 = arith.constant 0 : i32
    %dma_start3A_75 = arith.constant 0 : i32
    %dma_start3A_76 = tpu.memref_slice %arg3[%dma_start3A_74, %dma_start3A_75] : memref<100000x128xf32, #tpu.memory_space<hbm>> -> memref<100000x128xf32, #tpu.memory_space<hbm>>
    tpu.enqueue_indirect_dma source(%dma_start3A_76 : memref<100000x128xf32, #tpu.memory_space<hbm>>) target(%arg13 : memref<128x128xf32, #tpu.memory_space<vmem>>) offsets(%dma_start3A_73 : memref<128xi32, #tpu.memory_space<vmem>>) semaphore(%arg17 : memref<!tpu.dma_semaphore, #tpu.memory_space<semaphore_mem>>)
    %dma_wait3A_77 = arith.constant 256 : i32
    %dma_wait3A_78 = tpu.memref_slice %arg8[%dma_wait3A_77] : memref<512xi32, #tpu.memory_space<vmem>> -> memref<128xi32, #tpu.memory_space<vmem>>
    %dma_wait3A_79 = arith.constant 0 : i32
    %dma_wait3A_80 = arith.constant 0 : i32
    %dma_wait3A_81 = tpu.memref_slice %arg2[%dma_wait3A_79, %dma_wait3A_80] : memref<100000x128xf32, #tpu.memory_space<hbm>> -> memref<100000x128xf32, #tpu.memory_space<hbm>>
    tpu.wait_indirect_dma semaphore(%arg14 : memref<!tpu.dma_semaphore, #tpu.memory_space<semaphore_mem>>) src(%dma_wait3A_81 : memref<100000x128xf32, #tpu.memory_space<hbm>>) dst(%arg10 : memref<128x128xf32, #tpu.memory_space<vmem>>)
    %add3A_82 = arith.constant 256 : i32
    %add3A_83 = arith.addi %mul3A_2, %add3A_82 : i32
    "tpu.region"() ({
      %run_scoped3A = tpu.sem_alloc : memref<!tpu.dma_semaphore, #tpu.memory_space<semaphore_mem>>
      %dma_start3A_105 = arith.constant 0 : i32
      %dma_start3A_106 = tpu.memref_slice %arg6[%add3A_83, %dma_start3A_105] : memref<16384x128xf32, #tpu.memory_space<hbm>> -> memref<128x128xf32, #tpu.memory_space<hbm>>
      %dma_start3A_107 = arith.constant 0 : i32
      %dma_start3A_108 = tpu.memref_slice %arg6[%add3A_83, %dma_start3A_107] : memref<16384x128xf32, #tpu.memory_space<hbm>> -> memref<128x128xf32, #tpu.memory_space<hbm>>
      tpu.enqueue_dma source(%arg10 : memref<128x128xf32, #tpu.memory_space<vmem>>) target(%dma_start3A_108 : memref<128x128xf32, #tpu.memory_space<hbm>>) target_semaphore(%run_scoped3A : memref<!tpu.dma_semaphore, #tpu.memory_space<semaphore_mem>>)
      %dma_wait3A_109 = arith.constant 0 : i32
      %dma_wait3A_110 = tpu.memref_slice %arg6[%add3A_83, %dma_wait3A_109] : memref<16384x128xf32, #tpu.memory_space<hbm>> -> memref<128x128xf32, #tpu.memory_space<hbm>>
      %dma_wait3A_111 = arith.constant 0 : i32
      %dma_wait3A_112 = tpu.memref_slice %arg6[%add3A_83, %dma_wait3A_111] : memref<16384x128xf32, #tpu.memory_space<hbm>> -> memref<128x128xf32, #tpu.memory_space<hbm>>
      tpu.wait_dma2 semaphore(%run_scoped3A : memref<!tpu.dma_semaphore, #tpu.memory_space<semaphore_mem>>) src(%arg10 : memref<128x128xf32, #tpu.memory_space<vmem>>) dst(%dma_wait3A_112 : memref<128x128xf32, #tpu.memory_space<hbm>>)
      tpu.yield
    }) : () -> ()
    %dma_wait3A_84 = arith.constant 256 : i32
    %dma_wait3A_85 = tpu.memref_slice %arg9[%dma_wait3A_84] : memref<512xi32, #tpu.memory_space<vmem>> -> memref<128xi32, #tpu.memory_space<vmem>>
    %dma_wait3A_86 = arith.constant 0 : i32
    %dma_wait3A_87 = arith.constant 0 : i32
    %dma_wait3A_88 = tpu.memref_slice %arg3[%dma_wait3A_86, %dma_wait3A_87] : memref<100000x128xf32, #tpu.memory_space<hbm>> -> memref<100000x128xf32, #tpu.memory_space<hbm>>
    tpu.wait_indirect_dma semaphore(%arg15 : memref<!tpu.dma_semaphore, #tpu.memory_space<semaphore_mem>>) src(%dma_wait3A_88 : memref<100000x128xf32, #tpu.memory_space<hbm>>) dst(%arg11 : memref<128x128xf32, #tpu.memory_space<vmem>>)
    %add3A_89 = arith.constant 256 : i32
    %add3A_90 = arith.addi %mul3A_2, %add3A_89 : i32
    "tpu.region"() ({
      %run_scoped3A = tpu.sem_alloc : memref<!tpu.dma_semaphore, #tpu.memory_space<semaphore_mem>>
      %dma_start3A_105 = arith.constant 0 : i32
      %dma_start3A_106 = tpu.memref_slice %arg7[%add3A_90, %dma_start3A_105] : memref<16384x128xf32, #tpu.memory_space<hbm>> -> memref<128x128xf32, #tpu.memory_space<hbm>>
      %dma_start3A_107 = arith.constant 0 : i32
      %dma_start3A_108 = tpu.memref_slice %arg7[%add3A_90, %dma_start3A_107] : memref<16384x128xf32, #tpu.memory_space<hbm>> -> memref<128x128xf32, #tpu.memory_space<hbm>>
      tpu.enqueue_dma source(%arg11 : memref<128x128xf32, #tpu.memory_space<vmem>>) target(%dma_start3A_108 : memref<128x128xf32, #tpu.memory_space<hbm>>) target_semaphore(%run_scoped3A : memref<!tpu.dma_semaphore, #tpu.memory_space<semaphore_mem>>)
      %dma_wait3A_109 = arith.constant 0 : i32
      %dma_wait3A_110 = tpu.memref_slice %arg7[%add3A_90, %dma_wait3A_109] : memref<16384x128xf32, #tpu.memory_space<hbm>> -> memref<128x128xf32, #tpu.memory_space<hbm>>
      %dma_wait3A_111 = arith.constant 0 : i32
      %dma_wait3A_112 = tpu.memref_slice %arg7[%add3A_90, %dma_wait3A_111] : memref<16384x128xf32, #tpu.memory_space<hbm>> -> memref<128x128xf32, #tpu.memory_space<hbm>>
      tpu.wait_dma2 semaphore(%run_scoped3A : memref<!tpu.dma_semaphore, #tpu.memory_space<semaphore_mem>>) src(%arg11 : memref<128x128xf32, #tpu.memory_space<vmem>>) dst(%dma_wait3A_112 : memref<128x128xf32, #tpu.memory_space<hbm>>)
      tpu.yield
    }) : () -> ()
    %dma_wait3A_91 = arith.constant 384 : i32
    %dma_wait3A_92 = tpu.memref_slice %arg8[%dma_wait3A_91] : memref<512xi32, #tpu.memory_space<vmem>> -> memref<128xi32, #tpu.memory_space<vmem>>
    %dma_wait3A_93 = arith.constant 0 : i32
    %dma_wait3A_94 = arith.constant 0 : i32
    %dma_wait3A_95 = tpu.memref_slice %arg2[%dma_wait3A_93, %dma_wait3A_94] : memref<100000x128xf32, #tpu.memory_space<hbm>> -> memref<100000x128xf32, #tpu.memory_space<hbm>>
    tpu.wait_indirect_dma semaphore(%arg16 : memref<!tpu.dma_semaphore, #tpu.memory_space<semaphore_mem>>) src(%dma_wait3A_95 : memref<100000x128xf32, #tpu.memory_space<hbm>>) dst(%arg12 : memref<128x128xf32, #tpu.memory_space<vmem>>)
    %add3A_96 = arith.constant 384 : i32
    %add3A_97 = arith.addi %mul3A_2, %add3A_96 : i32
    "tpu.region"() ({
      %run_scoped3A = tpu.sem_alloc : memref<!tpu.dma_semaphore, #tpu.memory_space<semaphore_mem>>
      %dma_start3A_105 = arith.constant 0 : i32
      %dma_start3A_106 = tpu.memref_slice %arg6[%add3A_97, %dma_start3A_105] : memref<16384x128xf32, #tpu.memory_space<hbm>> -> memref<128x128xf32, #tpu.memory_space<hbm>>
      %dma_start3A_107 = arith.constant 0 : i32
      %dma_start3A_108 = tpu.memref_slice %arg6[%add3A_97, %dma_start3A_107] : memref<16384x128xf32, #tpu.memory_space<hbm>> -> memref<128x128xf32, #tpu.memory_space<hbm>>
      tpu.enqueue_dma source(%arg12 : memref<128x128xf32, #tpu.memory_space<vmem>>) target(%dma_start3A_108 : memref<128x128xf32, #tpu.memory_space<hbm>>) target_semaphore(%run_scoped3A : memref<!tpu.dma_semaphore, #tpu.memory_space<semaphore_mem>>)
      %dma_wait3A_109 = arith.constant 0 : i32
      %dma_wait3A_110 = tpu.memref_slice %arg6[%add3A_97, %dma_wait3A_109] : memref<16384x128xf32, #tpu.memory_space<hbm>> -> memref<128x128xf32, #tpu.memory_space<hbm>>
      %dma_wait3A_111 = arith.constant 0 : i32
      %dma_wait3A_112 = tpu.memref_slice %arg6[%add3A_97, %dma_wait3A_111] : memref<16384x128xf32, #tpu.memory_space<hbm>> -> memref<128x128xf32, #tpu.memory_space<hbm>>
      tpu.wait_dma2 semaphore(%run_scoped3A : memref<!tpu.dma_semaphore, #tpu.memory_space<semaphore_mem>>) src(%arg12 : memref<128x128xf32, #tpu.memory_space<vmem>>) dst(%dma_wait3A_112 : memref<128x128xf32, #tpu.memory_space<hbm>>)
      tpu.yield
    }) : () -> ()
    %dma_wait3A_98 = arith.constant 384 : i32
    %dma_wait3A_99 = tpu.memref_slice %arg9[%dma_wait3A_98] : memref<512xi32, #tpu.memory_space<vmem>> -> memref<128xi32, #tpu.memory_space<vmem>>
    %dma_wait3A_100 = arith.constant 0 : i32
    %dma_wait3A_101 = arith.constant 0 : i32
    %dma_wait3A_102 = tpu.memref_slice %arg3[%dma_wait3A_100, %dma_wait3A_101] : memref<100000x128xf32, #tpu.memory_space<hbm>> -> memref<100000x128xf32, #tpu.memory_space<hbm>>
    tpu.wait_indirect_dma semaphore(%arg17 : memref<!tpu.dma_semaphore, #tpu.memory_space<semaphore_mem>>) src(%dma_wait3A_102 : memref<100000x128xf32, #tpu.memory_space<hbm>>) dst(%arg13 : memref<128x128xf32, #tpu.memory_space<vmem>>)
    %add3A_103 = arith.constant 384 : i32
    %add3A_104 = arith.addi %mul3A_2, %add3A_103 : i32
    "tpu.region"() ({
      %run_scoped3A = tpu.sem_alloc : memref<!tpu.dma_semaphore, #tpu.memory_space<semaphore_mem>>
      %dma_start3A_105 = arith.constant 0 : i32
      %dma_start3A_106 = tpu.memref_slice %arg7[%add3A_104, %dma_start3A_105] : memref<16384x128xf32, #tpu.memory_space<hbm>> -> memref<128x128xf32, #tpu.memory_space<hbm>>
      %dma_start3A_107 = arith.constant 0 : i32
      %dma_start3A_108 = tpu.memref_slice %arg7[%add3A_104, %dma_start3A_107] : memref<16384x128xf32, #tpu.memory_space<hbm>> -> memref<128x128xf32, #tpu.memory_space<hbm>>
      tpu.enqueue_dma source(%arg13 : memref<128x128xf32, #tpu.memory_space<vmem>>) target(%dma_start3A_108 : memref<128x128xf32, #tpu.memory_space<hbm>>) target_semaphore(%run_scoped3A : memref<!tpu.dma_semaphore, #tpu.memory_space<semaphore_mem>>)
      %dma_wait3A_109 = arith.constant 0 : i32
      %dma_wait3A_110 = tpu.memref_slice %arg7[%add3A_104, %dma_wait3A_109] : memref<16384x128xf32, #tpu.memory_space<hbm>> -> memref<128x128xf32, #tpu.memory_space<hbm>>
      %dma_wait3A_111 = arith.constant 0 : i32
      %dma_wait3A_112 = tpu.memref_slice %arg7[%add3A_104, %dma_wait3A_111] : memref<16384x128xf32, #tpu.memory_space<hbm>> -> memref<128x128xf32, #tpu.memory_space<hbm>>
      tpu.wait_dma2 semaphore(%run_scoped3A : memref<!tpu.dma_semaphore, #tpu.memory_space<semaphore_mem>>) src(%arg13 : memref<128x128xf32, #tpu.memory_space<vmem>>) dst(%dma_wait3A_112 : memref<128x128xf32, #tpu.memory_space<hbm>>)
      tpu.yield
    }) : () -> ()
    return
  }
}

module attributes {stable_mosaic.version = 14 : i64} {
  func.func @body(%arg0: i32, %arg1: memref<128x128xf32, #tpu.memory_space<vmem>>, %arg2: memref<8192x128xf32, #tpu.memory_space<vmem>>, %arg3: memref<8192x128xf32, #tpu.memory_space<vmem>>, %arg4: memref<8192x128xf32, #tpu.memory_space<vmem>>, %arg5: memref<8192x128xf32, #tpu.memory_space<vmem>>) attributes {dimension_semantics = [#tpu.dimension_semantics<arbitrary>], iteration_bounds = array<i64: 2>, scalar_prefetch = 0 : i64, scratch_operands = 0 : i64, tpu.core_type = #tpu.core_type<tc>, window_params = [{pipeline_mode = #tpu.pipeline_mode<synchronous>, transform_indices = @transform_0, window_bounds = array<i64: 128, 128>}, {transform_indices = @transform_1, window_bounds = array<i64: 8192, 128>}, {transform_indices = @transform_2, window_bounds = array<i64: 8192, 128>}, {transform_indices = @transform_3, window_bounds = array<i64: 8192, 128>}, {transform_indices = @transform_4, window_bounds = array<i64: 8192, 128>}]} {
    %get3A = arith.constant 0 : index
    %get3A_0 = arith.constant 0 : index
    %get3A_1 = vector.load %arg1[%get3A, %get3A_0] : memref<128x128xf32, #tpu.memory_space<vmem>>, vector<128x128xf32>
    %get3A_2 = arith.constant 0 : index
    %get3A_3 = arith.constant 0 : index
    %get3A_4 = vector.load %arg2[%get3A_2, %get3A_3] : memref<8192x128xf32, #tpu.memory_space<vmem>>, vector<8192x128xf32>
    %dot_general3A = arith.constant dense<0.000000e+00> : vector<8192x128xf32>
    %dot_general3A_5 = tpu.matmul %get3A_4, %get3A_1, %dot_general3A {dimension_numbers = #tpu.dot_dimension_numbers<[1], [1], [0], [0], [0, 0, 1, 0], [], []>, transpose_lhs_hint = false} : vector<8192x128xf32>, vector<128x128xf32>, vector<8192x128xf32> -> vector<8192x128xf32>
    %swap3A = arith.constant 0 : index
    %swap3A_6 = arith.constant 0 : index
    %swap3A_7 = vector.load %arg4[%swap3A, %swap3A_6] : memref<8192x128xf32, #tpu.memory_space<vmem>>, vector<8192x128xf32>
    tpu.vector_store %arg4[%swap3A, %swap3A_6], %dot_general3A_5 {strides = array<i32>} : memref<8192x128xf32, #tpu.memory_space<vmem>>, vector<8192x128xf32>,
    %get3A_8 = arith.constant 0 : index
    %get3A_9 = arith.constant 0 : index
    %get3A_10 = vector.load %arg3[%get3A_8, %get3A_9] : memref<8192x128xf32, #tpu.memory_space<vmem>>, vector<8192x128xf32>
    %dot_general3A_11 = arith.constant dense<0.000000e+00> : vector<8192x128xf32>
    %dot_general3A_12 = tpu.matmul %get3A_10, %get3A_1, %dot_general3A_11 {dimension_numbers = #tpu.dot_dimension_numbers<[1], [1], [0], [0], [0, 0, 1, 0], [], []>, transpose_lhs_hint = false} : vector<8192x128xf32>, vector<128x128xf32>, vector<8192x128xf32> -> vector<8192x128xf32>
    %swap3A_13 = arith.constant 0 : index
    %swap3A_14 = arith.constant 0 : index
    %swap3A_15 = vector.load %arg5[%swap3A_13, %swap3A_14] : memref<8192x128xf32, #tpu.memory_space<vmem>>, vector<8192x128xf32>
    tpu.vector_store %arg5[%swap3A_13, %swap3A_14], %dot_general3A_12 {strides = array<i32>} : memref<8192x128xf32, #tpu.memory_space<vmem>>, vector<8192x128xf32>,
    return
  }
  func.func @transform_0(%arg0: i32) -> (i32, i32) {
    %c0_i32 = arith.constant 0 : i32
    %c0_i32_0 = arith.constant 0 : i32
    %c0_i32_1 = arith.constant 0 : i32
    return %c0_i32, %c0_i32_0 : i32, i32
  }
  func.func @transform_1(%arg0: i32) -> (i32, i32) {
    %c0_i32 = arith.constant 0 : i32
    %c0_i32_0 = arith.constant 0 : i32
    return %arg0, %c0_i32 : i32, i32
  }
  func.func @transform_2(%arg0: i32) -> (i32, i32) {
    %c0_i32 = arith.constant 0 : i32
    %c0_i32_0 = arith.constant 0 : i32
    return %arg0, %c0_i32 : i32, i32
  }
  func.func @transform_3(%arg0: i32) -> (i32, i32) {
    %c0_i32 = arith.constant 0 : i32
    %c0_i32_0 = arith.constant 0 : i32
    return %arg0, %c0_i32 : i32, i32
  }
  func.func @transform_4(%arg0: i32) -> (i32, i32) {
    %c0_i32 = arith.constant 0 : i32
    %c0_i32_0 = arith.constant 0 : i32
    return %arg0, %c0_i32 : i32, i32
  }
}

</mosaic_0001>

<sc_bundles>
// kernel: kernel.4.cloned.1.call-start
scs
__scs_entry_jumppad:
0x0: {  	(pc) =	sbr.rel $0x88, $3  }
0x1: {  	(tag) =	ssettag $0x0;
	lr =	simm.s32 $0x1  }
0x2: {  	[smem:$0x3F9C] =	sst lr;
	_ =	strace $0xD0000000  }
0x3: {  	_ = 	snop  }
0x4: {  	_ = 	snop  }
0x5: {  	_ = 	snop  }
0x6: {  	_ = 	snop  }
0x7: {  	_ = 	snop  }
__scs_overlays_trampoline_lowered:
0x8: {  	[smem:$0x3FAB] =	sst s0  }
0x9: {  	[smem:$0x3FAC] =	sst s1  }
0xa: {  	[smem:$0x3FAD] =	sst s2  }
0xb: {  	[smem:$0x3FAE] =	sst s3  }
0xc: {  	[smem:$0x3FAF] =	sst s4  }
0xd: {  	[smem:$0x3FB0] =	sst s5  }
0xe: {  	[smem:$0x3FB1] =	sst s6  }
0xf: {  	[smem:$0x3FB2] =	sst s7  }
0x10: {  	[smem:$0x3FB3] =	sst s8  }
0x11: {  	[smem:$0x3FB4] =	sst s9;
	s0 =	simm.s32 @!p0 $0x0  }
0x12: {  	s1 =	sld [smem:$0x3F9A];
	s0 =	simm.s32 @p0 $0x1  }
0x13: {  	[smem:$0x3FB5] =	sst s0;
	s0 =	simm.s32 @!p1 $0x0  }
0x14: {  	s2 =	sld [smem:$0x3F99];
	s0 =	simm.s32 @p1 $0x1  }
0x15: {  	[smem:$0x3FB6] =	sst s0;
	s0 =	simm.s32 @!p2 $0x0  }
0x16: {  	s3 =	sld [smem:$0x3FDB];
	s0 =	simm.s32 @p2 $0x1  }
0x17: {  	s4 =	simm.s32 $0x1BF5;
	[smem:$0x3FB8] =	sst s0  }
0x18: {  	s0 =	sld [smem:$0x3F9B];
	_ =	swait.ge [sflag:s4], $0x0  }
0x19: {  	s7 =	sld [smem:$0x3F9C]  }
0x1a: {  	s8 =	sadd.s32 $0xFFFFE003, lr  }
0x1b: {  	s9 =	sadd.s32 $0xFFFFFEF7, lr;
	s5 =	simm.s32 $0xFFFFFFFF;
	p2 =	slt.u32 s8, $0xFFFFF086  }
0x1c: {  	p1 =	slt.u32 s9, $0xF7A;
	s5 =	simm.s32 @!p2 $0x0  }
0x1d: {  	s5 =	simm.s32 @p1 $0x1;
	p0 =	seq.s32 s7, s2  }
0x1e: {  	s7 =	smul.u32 @!p0 $0xF7A, s2;
	p2 =	seq.s32 @!p0 s5, $0x0  }
0x1f: {  	s9 =	smul.u32 $0xF7A, s1;
	s8 =	simm.s32 @!p0 $0x1BF5;
	p2 =	por !p2, p0  }
0x20: {  	[sflag:s8] =	ssyncset.s32 @!p0 $0xFFFFF086;
	s6 =	sadd.s32 @!p0 s3, s7;
	s7 =	simm.s32 @!p0 $0x108  }
0x21: {  	s3 =	sadd.s32 s3, s9;
	s6 =	sadd.s32 @!p0 $0x88, s6;
	s7 =	simm.s32 @p2 $0x1082  }
0x22: {  	[simem:s7], [sflag:s8] =	dma.local @!p0 [hbm:s6], $0xF7A  }
0x23: {  	s9 =	sor.u32 $0xD0000000, s2;
	s6 =	simm.s32 $0x108;
	_ =	swait.ge @!p0 [sflag:s8], $0x0  }
0x24: {  	s3 =	sadd.s32 $0x88, s3;
	s6 =	simm.s32 @!p1 $0x1082;
	[sflag:s4] =	ssyncset.s32 $0xFFFFF086  }
0x25: {  	[simem:s6], [sflag:s4] =	dma.local [hbm:s3], $0xF7A  }
0x26: {  	[smem:$0x3F9C] =	sst s1;
	(tag) =	ssettag s2;
	_ =	strace s9  }
0x27: {  	s1 =	sld [smem:$0x3FAC]  }
0x28: {  	s2 =	sld [smem:$0x3FAD]  }
0x29: {  	s4 =	sld [smem:$0x3FAF]  }
0x2a: {  	p0 =	seq.s32 s5, $0x0;
	s5 =	sld [smem:$0x3FB0]  }
0x2b: {  	s6 =	sld [smem:$0x3FB1]  }
0x2c: {  	s7 =	sld [smem:$0x3FB2]  }
0x2d: {  	s3 =	simm.s32 $0x108;
	s8 =	sld [smem:$0x3FB3]  }
0x2e: {  	s3 =	simm.s32 @!p0 $0x1082;
	s9 =	sld [smem:$0x3FB4]  }
0x2f: {  	lr =	sadd.s32 s0, s3;
	s0 =	sld [smem:$0x3FAB]  }
0x30: {  	s3 =	sld [smem:$0x3FAE]  }
0x31: {  	[smem:$0x3FB7] =	sst s10  }
0x32: {  	s10 =	sld [smem:$0x3FB5];
	_ =	sdelay $0x3  }
0x33: {  	p0 =	seq.s32 s10, $0x1;
	s10 =	sld [smem:$0x3FB7];
	_ =	sdelay $0x3  }
0x34: {  	[smem:$0x3FB7] =	sst s10  }
0x35: {  	s10 =	sld [smem:$0x3FB6];
	_ =	sdelay $0x3  }
0x36: {  	p1 =	seq.s32 s10, $0x1;
	s10 =	sld [smem:$0x3FB7];
	_ =	sdelay $0x3  }
0x37: {  	[smem:$0x3FB7] =	sst s10  }
0x38: {  	s10 =	sld [smem:$0x3FB8]  }
0x39: {  	_ = 	snop;
	(pc) =	sbr.ind lr, $3  }
0x3a: {  	_ = 	snop  }
0x3b: {  	_ = 	snop  }
0x3c: {  	p2 =	seq.s32 s10, $0x1;
	s10 =	sld [smem:$0x3FB7]  }
0x3d: {  	_ =	shalt  }
0x3e: {  	_ =	shalt  }
0x3f: {  	_ =	shalt  }
0x40: {  	_ =	shalt  }
0x41: {  	_ =	shalt  }
0x42: {  	_ =	shalt  }
0x43: {  	_ =	shalt  }
0x44: {  	_ =	shalt  }
0x45: {  	_ =	shalt  }
0x46: {  	_ =	shalt  }
0x47: {  	_ =	shalt  }
0x48: {  	_ =	shalt  }
0x49: {  	_ =	shalt  }
0x4a: {  	_ =	shalt  }
0x4b: {  	_ =	shalt  }
0x4c: {  	_ =	shalt  }
0x4d: {  	_ =	shalt  }
0x4e: {  	_ =	shalt  }
0x4f: {  	_ =	shalt  }
0x50: {  	_ =	shalt  }
0x51: {  	_ =	shalt  }
0x52: {  	_ =	shalt  }
0x53: {  	_ =	shalt  }
0x54: {  	_ =	shalt  }
0x55: {  	_ =	shalt  }
0x56: {  	_ =	shalt  }
0x57: {  	_ =	shalt  }
0x58: {  	_ =	shalt  }
0x59: {  	_ =	shalt  }
0x5a: {  	_ =	shalt  }
0x5b: {  	_ =	shalt  }
0x5c: {  	_ =	shalt  }
0x5d: {  	_ =	shalt  }
0x5e: {  	_ =	shalt  }
0x5f: {  	_ =	shalt  }
0x60: {  	_ =	shalt  }
0x61: {  	_ =	shalt  }
0x62: {  	_ =	shalt  }
0x63: {  	_ =	shalt  }
0x64: {  	_ =	shalt  }
0x65: {  	_ =	shalt  }
0x66: {  	_ =	shalt  }
0x67: {  	_ =	shalt  }
0x68: {  	_ =	shalt  }
0x69: {  	_ =	shalt  }
0x6a: {  	_ =	shalt  }
0x6b: {  	_ =	shalt  }
0x6c: {  	_ =	shalt  }
0x6d: {  	_ =	shalt  }
0x6e: {  	_ =	shalt  }
0x6f: {  	_ =	shalt  }
0x70: {  	_ =	shalt  }
0x71: {  	_ =	shalt  }
0x72: {  	_ =	shalt  }
0x73: {  	_ =	shalt  }
0x74: {  	_ =	shalt  }
0x75: {  	_ =	shalt  }
0x76: {  	_ =	shalt  }
0x77: {  	_ =	shalt  }
0x78: {  	_ =	shalt  }
0x79: {  	_ =	shalt  }
0x7a: {  	_ =	shalt  }
0x7b: {  	_ =	shalt  }
0x7c: {  	_ =	shalt  }
0x7d: {  	_ =	shalt  }
0x7e: {  	_ =	shalt  }
0x7f: {  	_ =	shalt  }
0x80: {  	_ =	shalt  }
0x81: {  	_ =	shalt  }
0x82: {  	_ =	shalt  }
0x83: {  	_ =	shalt  }
0x84: {  	_ =	shalt  }
0x85: {  	_ =	shalt  }
0x86: {  	_ =	shalt  }
0x87: {  	_ =	shalt  }
.Lfunc_end0:
.L_simem_size_0:
called_computation_lowered:
.L_overlay_start_0:
0x88: {  	s2 =	sld [smem:$0x3FD9]  }
0x89: {  	s3 =	sld [smem:$0x3FFE];
	_ =	sdelay $0x1  }
0x8a: {  	s1 =	srdreg.scid  }
0x8b: {  	s0 =	sand.u32 $0x1, s1  }
0x8c: {  	s15 =	sshll.u32 s0, $0xA;
	s2 =	sadd.s32 s3, s2  }
0x8d: {  	s2 =	sadd.s32 s2, s15  }
0x8e: {  	[smem:$0x3FC3] =	sst s2  }
0x8f: {  	_ = 	snop  }
0x90: {  	s2 =	sld [smem:$0x3FC9]  }
0x91: {  	s16 =	sld [smem:$0x3FD0]  }
0x92: {  	s4 =	sld [smem:$0x3FC8]  }
0x93: {  	s5 =	sld [smem:$0x3FC7]  }
0x94: {  	s7 =	simm.s32 $0xA;
	s8 =	simm.s32 $0x10;
	s6 =	sld [smem:$0x3FC6]  }
0x95: {  	[smem:s8], [sflag:s7] =	dma.local [hbm:s16], $0x1  }
0x96: {  	_ =	swait.eq [sflag:s7], $0x1  }
0x97: {  	[sflag:s7] =	ssyncset.done $0x0  }
0x98: {  	s17 =	sld [smem:$0x10];
	[sflag:s7] =	ssyncadd.s32 $0xFFFFFFFF  }
0x99: {  	s18 =	sld [smem:$0x11];
	(tm) =	ssettm $0x1  }
0x9a: {  	s19 =	sld [smem:$0x3FFB];
	_ =	sdelay $0x3  }
0x9b: {  	_ =	strace s19  }
0x9c: {  	s8 =	sld [smem:$0x3FFC];
	_ =	sdelay $0x3  }
0x9d: {  	_ =	strace s8  }
0x9e: {  	s8 =	sld [smem:$0x3FFD];
	_ =	sdelay $0x3  }
0x9f: {  	_ =	strace s8  }
0xa0: {  	_ =	strace $0x8FFFFFFF  }
0xa1: {  	s20 =	sld [smem:$0x3FDB];
	_ =	sdelay $0x1  }
0xa2: {  	s9 =	simm.s32 $_scs_section_size  }
0xa3: {  	s10 =	simm.s32 $_size__tile_overlayer_lowered;
	s11 =	simm.s32 $_tile_overlayer_lowered  }
0xa4: {  	s23 =	simm.s32 $0x1BFF;
	s22 =	sshll.u32 s11, $0x1;
	s8 =	sadd.s32 s9, s20  }
0xa5: {  	s12 =	simm.s32 $0x0;
	s21 =	sshll.u32 s10, $0x1;
	s10 =	sadd.s32 s22, s8  }
0xa6: {  	[timem:s12], [sflag:s23] =	dma.local [hbm:s10], s21  }
0xa7: {  	_ =	swait.ge [sflag:s23], s21  }
0xa8: {  	s9 =	ssub.s32 $0x0, s21;
	[sflag:s23] =	ssyncset.done $0x0  }
0xa9: {  	[sflag:s23] =	ssyncadd.s32 s9;
	_ =	sdelay $0x1  }
0xaa: {  	s24 =	simm.s32 $0x1B8B  }
0xab: {  	_ =	swait.ge [sflag:s24], $0x1  }
0xac: {  	[sflag:s24] =	ssyncset.done $0x0  }
0xad: {  	s25 =	simm.s32 $0x1B8E;
	[sflag:s24] =	ssyncadd.s32 $0xFFFFFFFF  }
0xae: {  	s26 =	simm.s32 $execute0_lowered;
	[smem:$0x3FD2] =	sst s25  }
0xaf: {  	s9 =	sshll.u32 s26, $0x1;
	_ =	strace $0x80000046;
	[dreg:$0x1] =	wrdreg $0xFFFFFFFF  }
0xb0: {  	s28 =	simm.s32 $_size_execute0_lowered;
	s8 =	sadd.s32 s8, s9;
	[dreg:$0x0] =	wrdreg $0x0  }
0xb1: {  	s9 =	sshll.u32 s28, $0x1;
	[dreg:$0x2] =	wrdreg s8  }
0xb2: {  	[dreg:$0x3] =	wrdreg s9  }
0xb3: {  	[dreg:$0x4] =	wrdreg $0xC0  }
0xb4: {  	_ =	task [dreg:s12], $0x5FFFF  }
0xb5: {  	[dreg:$0x1] =	wrdreg $0xFFFFFFFF  }
0xb6: {  	[dreg:$0x0] =	wrdreg $0x60  }
0xb7: {  	[dreg:$0x2] =	wrdreg s5  }
0xb8: {  	[dreg:$0x3] =	wrdreg s6  }
0xb9: {  	[dreg:$0x4] =	wrdreg s2  }
0xba: {  	[dreg:$0x5] =	wrdreg s4  }
0xbb: {  	[dreg:$0x6] =	wrdreg s18  }
0xbc: {  	[dreg:$0x7] =	wrdreg s17  }
0xbd: {  	[dreg:$0x8] =	wrdreg $0x9  }
0xbe: {  	_ =	task.clear_ibuf [dreg:s12], $0x9FFFF;
	_ =	strace $0x90000046  }
0xbf: {  	s29 =	simm.s32 $0x9;
	_ =	strace $0x80000048  }
0xc0: {  	_ =	swait.ge [sflag:s29], $0x1  }
0xc1: {  	[sflag:s29] =	ssyncadd.s32 $0xFFFFFFFF  }
0xc2: {  	_ =	strace $0x90000048  }
0xc3: {  	_ =	sfence  }
0xc4: {  	s30 =	sld [smem:$0x0];
	_ =	sdelay $0x2  }
0xc5: {  	s31 =	sshll.u32 s1, $0xD;
	s1 =	sshrl.u32 s1, $0x2  }
0xc6: {  	s3 =	sand.u32 $0x4000, s31;
	s1 =	sadd.s32 s1, s30  }
0xc7: {  	s0 =	sor.u32 s3, s0;
	s1 =	sshll.u32 s1, $0x11  }
0xc8: {  	s0 =	sor.u32 s1, s0  }
0xc9: {  	s0 =	sadd.s32 $0x8F2B, s0  }
0xca: {  	[sflag:s0] =	ssyncadd.remote.s32 $0x1  }
0xcb: {  	_ =	sfence.sel $0xFFFF  }
0xcc: {  	[dreg:$0x0] =	wrdreg $0xFFFFFFFF;
	(pc) =	sbr.abs _section_cstart, $3  }
0xcd: {  	[dreg:$0x1] =	wrdreg $0xFFFFFFFF  }
0xce: {  	_ =	task.clear_ibuf [dreg:s12], $0x2FFFF;
	_ =	strace $0x9FFFFFFF  }
0xcf: {  	(tm) =	ssettm $0x7FFFFFFF  }
tec
execute0_lowered:
.L_overlay_start_1:
0x0: {  	(tag) =	ssettag $0x1  }
0x1: {  	s1 =	rddreg [dreg:$0x0]  }
0x2: {  	s2 =	rddreg [dreg:$0x1];
	s3 =	srdreg.scid  }
0x3: {  	s5 =	rddreg [dreg:$0x2];
	s0 =	stileid.u32;
	s31 =	sand.u32 $0x1, s3  }
0x4: {  	s6 =	rddreg [dreg:$0x3];
	s7 =	sshll.u32 s0, $0xA;
	s8 =	sshll.u32 s31, $0x9  }
0x5: {  	s29 =	rddreg [dreg:$0x4];
	s15 =	sor.u32 s8, s7  }
0x6: {  	s30 =	rddreg [dreg:$0x5];
	s4 =	simm.s32 $0x0;
	s7 =	sshrl.u32 s15, $0x3  }
0x7: {  	[smem:$0x7FF] =	sst s4;
	s5 =	sadd.s32 s5, s7  }
0x8: {  	_ =	strace $0x80000047;
	[dreg:$0x7] =	wrdreg s5  }
0x9: {  	s5 =	rddreg [dreg:$0x7]  }
0xa: {  	[tilespmem:s4], [sflag:$0x1] =	stream.linear.gather [hbm4b:s5+s4], $0x200, $0x38;
	[tilespmem:$0x10400] =	vst v63  }
0xb: {  	s5 =	sadd.s32 s6, s7;
	s6 =	simm.s32 $0x200;
	s7 =	simm.s32 $0x1  }
0xc: {  	[tilespmem:s6], [sflag:$0x2] =	stream.linear.gather [hbm4b:s5+s4], $0x200, $0x38;
	[tilespmem:$0x10400] =	vst v63  }
0xd: {  	_ =	swait.ge [sflag:s7], $0x200  }
0xe: {  	[sflag:s7] =	ssyncset.done $0x0  }
0xf: {  	s8 =	simm.s32 $0x2;
	[sflag:s7] =	ssyncadd.s32 $0xFFFFFE00  }
0x10: {  	_ =	swait.ge [sflag:s8], $0x200  }
0x11: {  	[sflag:s8] =	ssyncset.done $0x0  }
0x12: {  	s9 =	simm.s32 $0x80;
	s10 =	simm.s32 $0x400;
	[sflag:s8] =	ssyncadd.s32 $0xFFFFFE00  }
0x13: {  	[tilespmem:s10], [sflag:$0x1] =	stream.indirect.gather [hbm4b:s1+s9], $0x80, s4, s9, $0xb8;
	[tilespmem:$0x10400] =	vst v63  }
0x14: {  	s11 =	simm.s32 $0x4400  }
0x15: {  	[tilespmem:s11], [sflag:$0x2] =	stream.indirect.gather [hbm4b:s2+s9], $0x80, s6, s9, $0xb8;
	[tilespmem:$0x10400] =	vst v63  }
0x16: {  	s12 =	simm.s32 $0x8400  }
0x17: {  	[tilespmem:s12], [sflag:$0x3] =	stream.indirect.gather [hbm4b:s1+s9], $0x80, s9, s9, $0xb8;
	[tilespmem:$0x10400] =	vst v63  }
0x18: {  	s13 =	simm.s32 $0x280;
	s14 =	simm.s32 $0xC400  }
0x19: {  	[tilespmem:s14], [sflag:$0x4] =	stream.indirect.gather [hbm4b:s2+s9], $0x80, s13, s9, $0xb8;
	[tilespmem:$0x10400] =	vst v63  }
0x1a: {  	_ =	swait.ge [sflag:s7], $0x4000  }
0x1b: {  	s0 =	sshll.u32 s15, $0x4;
	[sflag:s7] =	ssyncset.done $0x0  }
0x1c: {  	s15 =	simm.s32 $0x5;
	s16 =	sadd.s32 s29, s0;
	[sflag:s7] =	ssyncadd.s32 $0xFFFFC000  }
0x1d: {  	[hbm4b:s16+s4] =	stream.linear.scatter [tilespmem:s10], [sflag:$0x5], $0x4000, $0x38;
	[tilespmem:$0x10400] =	vst v63  }
0x1e: {  	_ =	swait.ge [sflag:s15], $0x4000  }
0x1f: {  	[sflag:s15] =	ssyncset.done $0x0  }
0x20: {  	s17 =	simm.s32 $0x100;
	[sflag:s15] =	ssyncadd.s32 $0xFFFFC000  }
0x21: {  	[tilespmem:s10], [sflag:$0x1] =	stream.indirect.gather [hbm4b:s1+s9], $0x80, s17, s9, $0xb8;
	[tilespmem:$0x10400] =	vst v63  }
0x22: {  	_ =	swait.ge [sflag:s8], $0x4000  }
0x23: {  	[sflag:s8] =	ssyncset.done $0x0  }
0x24: {  	s18 =	sadd.s32 s30, s0;
	[sflag:s8] =	ssyncadd.s32 $0xFFFFC000  }
0x25: {  	[hbm4b:s18+s4] =	stream.linear.scatter [tilespmem:s11], [sflag:$0x5], $0x4000, $0x38;
	[tilespmem:$0x10400] =	vst v63  }
0x26: {  	_ =	swait.ge [sflag:s15], $0x4000  }
0x27: {  	[sflag:s15] =	ssyncset.done $0x0  }
0x28: {  	s19 =	simm.s32 $0x300;
	s20 =	simm.s32 $0x3;
	[sflag:s15] =	ssyncadd.s32 $0xFFFFC000  }
0x29: {  	[tilespmem:s11], [sflag:$0x2] =	stream.indirect.gather [hbm4b:s2+s9], $0x80, s19, s9, $0xb8;
	[tilespmem:$0x10400] =	vst v63  }
0x2a: {  	_ =	swait.ge [sflag:s20], $0x4000  }
0x2b: {  	s24 =	sor.u32 $0x800, s0;
	[sflag:s20] =	ssyncset.done $0x0  }
0x2c: {  	s21 =	sadd.s32 s29, s24;
	[sflag:s20] =	ssyncadd.s32 $0xFFFFC000  }
0x2d: {  	[hbm4b:s21+s4] =	stream.linear.scatter [tilespmem:s12], [sflag:$0x5], $0x4000, $0x38;
	[tilespmem:$0x10400] =	vst v63  }
0x2e: {  	_ =	swait.ge [sflag:s15], $0x4000  }
0x2f: {  	[sflag:s15] =	ssyncset.done $0x0  }
0x30: {  	s22 =	simm.s32 $0x180;
	s23 =	simm.s32 $0x4;
	[sflag:s15] =	ssyncadd.s32 $0xFFFFC000  }
0x31: {  	[tilespmem:s12], [sflag:$0x3] =	stream.indirect.gather [hbm4b:s1+s9], $0x80, s22, s9, $0xb8;
	[tilespmem:$0x10400] =	vst v63  }
0x32: {  	_ =	swait.ge [sflag:s23], $0x4000  }
0x33: {  	[sflag:s23] =	ssyncset.done $0x0  }
0x34: {  	s24 =	sadd.s32 s30, s24;
	[sflag:s23] =	ssyncadd.s32 $0xFFFFC000  }
0x35: {  	[hbm4b:s24+s4] =	stream.linear.scatter [tilespmem:s14], [sflag:$0x5], $0x4000, $0x38;
	[tilespmem:$0x10400] =	vst v63  }
0x36: {  	_ =	swait.ge [sflag:s15], $0x4000  }
0x37: {  	[sflag:s15] =	ssyncset.done $0x0  }
0x38: {  	s25 =	simm.s32 $0x380;
	[sflag:s15] =	ssyncadd.s32 $0xFFFFC000  }
0x39: {  	[tilespmem:s14], [sflag:$0x4] =	stream.indirect.gather [hbm4b:s2+s9], $0x80, s25, s9, $0xb8;
	[tilespmem:$0x10400] =	vst v63  }
0x3a: {  	_ =	swait.ge [sflag:s7], $0x4000  }
0x3b: {  	s28 =	sor.u32 $0x1000, s0;
	[sflag:s7] =	ssyncset.done $0x0  }
0x3c: {  	s26 =	sadd.s32 s29, s28;
	[sflag:s7] =	ssyncadd.s32 $0xFFFFC000  }
0x3d: {  	[hbm4b:s26+s4] =	stream.linear.scatter [tilespmem:s10], [sflag:$0x5], $0x4000, $0x38;
	[tilespmem:$0x10400] =	vst v63  }
0x3e: {  	_ =	swait.ge [sflag:s15], $0x4000  }
0x3f: {  	[sflag:s15] =	ssyncset.done $0x0  }
0x40: {  	[sflag:s15] =	ssyncadd.s32 $0xFFFFC000  }
0x41: {  	_ =	swait.ge [sflag:s8], $0x4000  }
0x42: {  	[sflag:s8] =	ssyncset.done $0x0  }
0x43: {  	s28 =	sadd.s32 s30, s28;
	[sflag:s8] =	ssyncadd.s32 $0xFFFFC000  }
0x44: {  	[hbm4b:s28+s4] =	stream.linear.scatter [tilespmem:s11], [sflag:$0x5], $0x4000, $0x38;
	[tilespmem:$0x10400] =	vst v63  }
0x45: {  	_ =	swait.ge [sflag:s15], $0x4000  }
0x46: {  	[sflag:s15] =	ssyncset.done $0x0  }
0x47: {  	[sflag:s15] =	ssyncadd.s32 $0xFFFFC000  }
0x48: {  	_ =	swait.ge [sflag:s20], $0x4000  }
0x49: {  	s31 =	ssub.s32 $0x2, s31;
	s3 =	sor.u32 $0x1800, s0;
	[sflag:s20] =	ssyncset.done $0x0  }
0x4a: {  	s0 =	sshrl.u32 s31, $0x1;
	s29 =	sadd.s32 s29, s3;
	[sflag:s20] =	ssyncadd.s32 $0xFFFFC000  }
0x4b: {  	[hbm4b:s29+s4] =	stream.linear.scatter [tilespmem:s12], [sflag:$0x5], $0x4000, $0x38;
	[tilespmem:$0x10400] =	vst v63  }
0x4c: {  	s0 =	ssub.s32 s31, s0;
	_ =	swait.ge [sflag:s15], $0x4000  }
0x4d: {  	s0 =	smax.u32 s0, $0x1;
	[sflag:s15] =	ssyncset.done $0x0  }
0x4e: {  	p0 =	sne.s32 s0, $0x1;
	[sflag:s15] =	ssyncadd.s32 $0xFFFFC000  }
.Ltmp0:
0x4f: {  	_ =	swait.ge [sflag:s23], $0x4000;
	(pc) =	sbr.rel @!p0 .LBB2_2-.Ltmp0, $4  }
0x50: {  	[sflag:s23] =	ssyncset.done $0x0  }
0x51: {  	s30 =	sadd.s32 s30, s3;
	[sflag:s23] =	ssyncadd.s32 $0xFFFFC000  }
0x52: {  	[hbm4b:s30+s4] =	stream.linear.scatter [tilespmem:s14], [sflag:$0x5], $0x4000, $0x38;
	[tilespmem:$0x10400] =	vst v63  }
0x53: {  	s31 =	sadd.s32 $0xFFFFFFFF, s0;
	_ =	swait.ge [sflag:s15], $0x4000  }
.LBB2_1:
0x54: {  	[sflag:s15] =	ssyncset.done $0x0  }
0x55: {  	s0 =	rddreg [dreg:$0x7];
	[sflag:s15] =	ssyncadd.s32 $0xFFFFC000  }
0x56: {  	[tilespmem:s4], [sflag:$0x1] =	stream.linear.gather [hbm4b:s0+s4], $0x200, $0x38;
	[tilespmem:$0x10400] =	vst v63  }
0x57: {  	_ = 	snop  }
0x58: {  	[tilespmem:s6], [sflag:$0x2] =	stream.linear.gather [hbm4b:s5+s4], $0x200, $0x38;
	[tilespmem:$0x10400] =	vst v63  }
0x59: {  	_ =	swait.ge [sflag:s7], $0x200  }
0x5a: {  	[sflag:s7] =	ssyncset.done $0x0  }
0x5b: {  	[sflag:s7] =	ssyncadd.s32 $0xFFFFFE00  }
0x5c: {  	_ =	swait.ge [sflag:s8], $0x200  }
0x5d: {  	[sflag:s8] =	ssyncset.done $0x0  }
0x5e: {  	[sflag:s8] =	ssyncadd.s32 $0xFFFFFE00  }
0x5f: {  	[tilespmem:s10], [sflag:$0x1] =	stream.indirect.gather [hbm4b:s1+s9], $0x80, s4, s9, $0xb8;
	[tilespmem:$0x10400] =	vst v63  }
0x60: {  	_ = 	snop  }
0x61: {  	[tilespmem:s11], [sflag:$0x2] =	stream.indirect.gather [hbm4b:s2+s9], $0x80, s6, s9, $0xb8;
	[tilespmem:$0x10400] =	vst v63  }
0x62: {  	_ = 	snop  }
0x63: {  	[tilespmem:s12], [sflag:$0x3] =	stream.indirect.gather [hbm4b:s1+s9], $0x80, s9, s9, $0xb8;
	[tilespmem:$0x10400] =	vst v63  }
0x64: {  	_ = 	snop  }
0x65: {  	[tilespmem:s14], [sflag:$0x4] =	stream.indirect.gather [hbm4b:s2+s9], $0x80, s13, s9, $0xb8;
	[tilespmem:$0x10400] =	vst v63  }
0x66: {  	_ =	swait.ge [sflag:s7], $0x4000  }
0x67: {  	[sflag:s7] =	ssyncset.done $0x0  }
0x68: {  	[sflag:s7] =	ssyncadd.s32 $0xFFFFC000  }
0x69: {  	[hbm4b:s16+s4] =	stream.linear.scatter [tilespmem:s10], [sflag:$0x5], $0x4000, $0x38;
	[tilespmem:$0x10400] =	vst v63  }
0x6a: {  	_ =	swait.ge [sflag:s15], $0x4000  }
0x6b: {  	[sflag:s15] =	ssyncset.done $0x0  }
0x6c: {  	[sflag:s15] =	ssyncadd.s32 $0xFFFFC000  }
0x6d: {  	[tilespmem:s10], [sflag:$0x1] =	stream.indirect.gather [hbm4b:s1+s9], $0x80, s17, s9, $0xb8;
	[tilespmem:$0x10400] =	vst v63  }
0x6e: {  	_ =	swait.ge [sflag:s8], $0x4000  }
0x6f: {  	[sflag:s8] =	ssyncset.done $0x0  }
0x70: {  	[sflag:s8] =	ssyncadd.s32 $0xFFFFC000  }
0x71: {  	[hbm4b:s18+s4] =	stream.linear.scatter [tilespmem:s11], [sflag:$0x5], $0x4000, $0x38;
	[tilespmem:$0x10400] =	vst v63  }
0x72: {  	_ =	swait.ge [sflag:s15], $0x4000  }
0x73: {  	[sflag:s15] =	ssyncset.done $0x0  }
0x74: {  	[sflag:s15] =	ssyncadd.s32 $0xFFFFC000  }
0x75: {  	[tilespmem:s11], [sflag:$0x2] =	stream.indirect.gather [hbm4b:s2+s9], $0x80, s19, s9, $0xb8;
	[tilespmem:$0x10400] =	vst v63  }
0x76: {  	_ =	swait.ge [sflag:s20], $0x4000  }
0x77: {  	[sflag:s20] =	ssyncset.done $0x0  }
0x78: {  	[sflag:s20] =	ssyncadd.s32 $0xFFFFC000  }
0x79: {  	[hbm4b:s21+s4] =	stream.linear.scatter [tilespmem:s12], [sflag:$0x5], $0x4000, $0x38;
	[tilespmem:$0x10400] =	vst v63  }
0x7a: {  	_ =	swait.ge [sflag:s15], $0x4000  }
0x7b: {  	[sflag:s15] =	ssyncset.done $0x0  }
0x7c: {  	[sflag:s15] =	ssyncadd.s32 $0xFFFFC000  }
0x7d: {  	[tilespmem:s12], [sflag:$0x3] =	stream.indirect.gather [hbm4b:s1+s9], $0x80, s22, s9, $0xb8;
	[tilespmem:$0x10400] =	vst v63  }
0x7e: {  	_ =	swait.ge [sflag:s23], $0x4000  }
0x7f: {  	[sflag:s23] =	ssyncset.done $0x0  }
0x80: {  	[sflag:s23] =	ssyncadd.s32 $0xFFFFC000  }
0x81: {  	[hbm4b:s24+s4] =	stream.linear.scatter [tilespmem:s14], [sflag:$0x5], $0x4000, $0x38;
	[tilespmem:$0x10400] =	vst v63  }
0x82: {  	_ =	swait.ge [sflag:s15], $0x4000  }
0x83: {  	[sflag:s15] =	ssyncset.done $0x0  }
0x84: {  	[sflag:s15] =	ssyncadd.s32 $0xFFFFC000  }
0x85: {  	[tilespmem:s14], [sflag:$0x4] =	stream.indirect.gather [hbm4b:s2+s9], $0x80, s25, s9, $0xb8;
	[tilespmem:$0x10400] =	vst v63  }
0x86: {  	_ =	swait.ge [sflag:s7], $0x4000  }
0x87: {  	[sflag:s7] =	ssyncset.done $0x0  }
0x88: {  	[sflag:s7] =	ssyncadd.s32 $0xFFFFC000  }
0x89: {  	[hbm4b:s26+s4] =	stream.linear.scatter [tilespmem:s10], [sflag:$0x5], $0x4000, $0x38;
	[tilespmem:$0x10400] =	vst v63  }
0x8a: {  	_ =	swait.ge [sflag:s15], $0x4000  }
0x8b: {  	[sflag:s15] =	ssyncset.done $0x0  }
0x8c: {  	[sflag:s15] =	ssyncadd.s32 $0xFFFFC000  }
0x8d: {  	_ =	swait.ge [sflag:s8], $0x4000  }
0x8e: {  	[sflag:s8] =	ssyncset.done $0x0  }
0x8f: {  	[sflag:s8] =	ssyncadd.s32 $0xFFFFC000  }
0x90: {  	[hbm4b:s28+s4] =	stream.linear.scatter [tilespmem:s11], [sflag:$0x5], $0x4000, $0x38;
	[tilespmem:$0x10400] =	vst v63  }
0x91: {  	_ =	swait.ge [sflag:s15], $0x4000  }
0x92: {  	[sflag:s15] =	ssyncset.done $0x0  }
0x93: {  	[sflag:s15] =	ssyncadd.s32 $0xFFFFC000  }
0x94: {  	_ =	swait.ge [sflag:s20], $0x4000  }
0x95: {  	[sflag:s20] =	ssyncset.done $0x0  }
0x96: {  	[sflag:s20] =	ssyncadd.s32 $0xFFFFC000  }
0x97: {  	[hbm4b:s29+s4] =	stream.linear.scatter [tilespmem:s12], [sflag:$0x5], $0x4000, $0x38;
	[tilespmem:$0x10400] =	vst v63  }
0x98: {  	_ =	swait.ge [sflag:s15], $0x4000  }
0x99: {  	[sflag:s15] =	ssyncset.done $0x0  }
0x9a: {  	p0 =	sne.s32 s31, $0x1;
	[sflag:s15] =	ssyncadd.s32 $0xFFFFC000  }
.Ltmp1:
0x9b: {  	_ =	swait.ge [sflag:s23], $0x4000;
	(pc) =	sbr.rel @p0 .LBB2_1-.Ltmp1, $4  }
0x9c: {  	[sflag:s23] =	ssyncset.done $0x0  }
0x9d: {  	[sflag:s23] =	ssyncadd.s32 $0xFFFFC000  }
0x9e: {  	[hbm4b:s30+s4] =	stream.linear.scatter [tilespmem:s14], [sflag:$0x5], $0x4000, $0x38;
	[tilespmem:$0x10400] =	vst v63  }
0x9f: {  	s31 =	sadd.s32 $0xFFFFFFFF, s31;
	_ =	swait.ge [sflag:s15], $0x4000  }
.LBB2_2:
0xa0: {  	[sflag:s15] =	ssyncset.done $0x0  }
0xa1: {  	[sflag:s15] =	ssyncadd.s32 $0xFFFFC000  }
0xa2: {  	_ =	sfence.sel $0x180000  }
0xa3: {  	[bflag:$0x0] =	sbarrier.arrive $0xFFFF  }
0xa4: {  	_ =	strace $0x90000047  }
0xa5: {  	s0 =	stileid.u32;
	[bflag:$0x2] =	sbarrier.arrive $0xFFFF  }
0xa6: {  	p0 =	sne.s32 s0, $0x0;
	s0 =	rddreg [dreg:$0x6]  }
0xa7: {  	s0 =	sadd.s32 @!p0 $0x100000, s0  }
0xa8: {  	[sflag:s0] =	ssyncadd.tile.s32 @!p0 $0x1;
	_ =	shalt  }
.Lfunc_end2:
_tile_overlayer_lowered:
.L_overlay_start_2:
0xa9: {  	(tag) =	ssettag $0x2  }
0xaa: {  	s0 =	rddreg [dreg:$0x0];
	s2 =	stileid.u32  }
0xab: {  	s1 =	rddreg [dreg:$0x1];
	p0 =	sne.s32 s2, $0x0  }
0xac: {  	s3 =	rddreg [dreg:$0x2];
	[bflag:$0x3] =	sbarrier.arrive $0xFFFF;
	s2 =	simm.s32 @!p0 $0x1C05  }
0xad: {  	[timem:s3], [sflag:s2] =	dma.local @!p0 [hbm:s0], s1  }
0xae: {  	s0 =	simm.s32 @!p0 $0x5  }
0xaf: {  	_ =	swait.ge @!p0 [sflag:s0], s1  }
0xb0: {  	s1 =	ssub.s32 @!p0 $0x0, s1;
	[sflag:s0] =	ssyncset.done @!p0 $0x0  }
0xb1: {  	[sflag:s0] =	ssyncadd.s32 @!p0 s1  }
0xb2: {  	[bflag:$0x3] =	sbarrier.arrive $0xFFFF  }
0xb3: {  	_ =	shalt  }

</sc_bundles>
